<compile_context>
chip_gen: v7x
topology: tpu7x:2x2x1
jax: 0.10.2.dev20260603
libtpu: 0.0.44.dev20260713+nightly
codegen_flags: <defaults>
</compile_context>

<pallas_src>
import functools

import jax
import jax.numpy as jnp
from jax import lax
from jax.experimental import pallas as pl
from jax.experimental.pallas import tpu as pltpu
from jax.experimental.pallas import tpu_sc as plsc

_NUM_DOMAINS = 26
_BATCH = 16384
_NUM_CORES = 2
_NUM_SUBCORES = 16
_NW = _NUM_CORES * _NUM_SUBCORES
_PER_W = _BATCH // _NW
_LANES = 16


def _softplus_vec(w):
    a = jnp.abs(w)
    t = 1.0 + jnp.exp(-a)
    u = t - 1.0
    y = u * (6.0 + u) / (6.0 + 4.0 * u)
    y = y - 1.0 + t * jnp.exp(-y)
    return jnp.maximum(w, 0.0) + y


@functools.partial(
    pl.kernel,
    mesh=plsc.VectorSubcoreMesh(core_axis_name="c", subcore_axis_name="s"),
    out_type=jax.ShapeDtypeStruct((_BATCH,), jnp.float32),
    compiler_params=pltpu.CompilerParams(
        needs_layout_passes=False,
        disable_bounds_checks=True,
        skip_device_barrier=True,
        use_tc_tiling_on_sc=False,
    ),
    scratch_types=[
        pltpu.VMEM((2 * _LANES,), jnp.float32),
        pltpu.VMEM((_PER_W,), jnp.int32),
        pltpu.VMEM((_PER_W,), jnp.float32),
        pltpu.SemaphoreType.DMA,
        pltpu.SemaphoreType.DMA,
        pltpu.SemaphoreType.DMA,
    ],
)
def _domain_table_sc(w_hbm, idx_hbm, x_hbm, out_hbm,
                     tab_v, idx_v, x_v, sem_w, sem_i, sem_x):
    wid = lax.axis_index("s") * _NUM_CORES + lax.axis_index("c")
    base = wid * _PER_W

    w_cp = pltpu.async_copy(w_hbm, tab_v.at[pl.ds(0, _NUM_DOMAINS)], sem_w)
    idx_cp = pltpu.async_copy(idx_hbm.at[pl.ds(base, _PER_W)], idx_v, sem_i)
    x_cp = pltpu.async_copy(x_hbm.at[pl.ds(base, _PER_W)], x_v, sem_x)

    w_cp.wait()
    lane = jax.lax.iota(jnp.int32, _LANES)
    w0 = tab_v[pl.ds(0, _LANES)]
    w1 = plsc.load_gather(tab_v, [jnp.minimum(lane + _LANES, _NUM_DOMAINS - 1)])
    sp0 = _softplus_vec(w0)
    sp1 = _softplus_vec(w1)
    sp1_valid = jnp.where(lane < (_NUM_DOMAINS - _LANES), sp1, 0.0)
    total = sp0 + sp1_valid
    for shift in (8, 4, 2, 1):
        tab_v[pl.ds(0, _LANES)] = total
        total = total + plsc.load_gather(tab_v, [lane ^ shift])
    scale = _NUM_DOMAINS / total
    tab_v[pl.ds(0, _LANES)] = sp0 * scale
    tab_v[pl.ds(_LANES, _LANES)] = sp1 * scale

    idx_cp.wait()
    x_cp.wait()

    @plsc.parallel_loop(0, _PER_W, _LANES, unroll=8)
    def _gather_body(i):
        sl = pl.ds(i, _LANES)
        wv = plsc.load_gather(tab_v, [idx_v[sl]])
        x_v[sl] = x_v[sl] * wv

    pltpu.sync_copy(x_v, out_hbm.at[pl.ds(base, _PER_W)])


def kernel(idxes, x, raw_weights):
    out = _domain_table_sc(raw_weights, idxes, x.reshape(_BATCH))
    return out.reshape(_BATCH, 1)

# --- scband reference (transcript-rebuilt; emitter-appended) ---
"""Pipeline reference for scband-domain-table-16131897163866 (READ-ONLY COPY).

The authoritative reference and input builder live on the scoring server;
editing this copy changes nothing except your own understanding.
"""

import jax, jax.numpy as jnp
import numpy as np

NUM_DOMAINS = 26
BATCH = 16384

def setup_inputs(seed: int = 0) -> dict:
    key = jax.random.key(seed)
    k1, k2, k3 = jax.random.split(key, 3)
    x = jax.random.normal(k1, (BATCH, 1), dtype=jnp.float32)
    # domain_strings are replaced by their integer indices (domain_to_idx lookup
    # is pure Python string->int mapping; the numeric computation starts at idxes)
    idxes = jax.random.randint(k2, (BATCH,), 0, NUM_DOMAINS).astype(jnp.int32)
    # learned parameter: raw_weights, shape (num_domains,). Original init is zeros;
    # use small random values so the computation is non-degenerate.
    raw_weights = jax.random.normal(k3, (NUM_DOMAINS,), dtype=jnp.float32) * 0.1
    return {"idxes": idxes, "x": x, "raw_weights": raw_weights}

def reference(idxes, x, raw_weights):
    positive_weights = jax.nn.softplus(raw_weights)
    mean_weights = jnp.mean(positive_weights)
    normalized_weights = positive_weights / mean_weights
    domain_weights = jnp.take(normalized_weights, idxes, axis=0)
    domain_weights = domain_weights.reshape(-1, 1)
    out = x * domain_weights
    return out

if __name__ == "__main__":
    import jax
    _d = setup_inputs()
    print(jax.jit(kernel)(*tuple(_d.values())))

</pallas_src>

<mosaic_0001>
#map = affine_map<(d0, d1) -> (0)>
module attributes {stable_mosaic.version = 14 : i64} {
  func.func @_domain_table_sc(%arg0: i32, %arg1: i32, %arg2: memref<26xf32, #tpu.memory_space<hbm>>, %arg3: memref<16384xi32, #tpu.memory_space<hbm>>, %arg4: memref<16384xf32, #tpu.memory_space<hbm>>, %arg5: memref<16384xf32, #tpu.memory_space<hbm>>, %arg6: memref<32xf32, #tpu.memory_space<vmem>>, %arg7: memref<512xi32, #tpu.memory_space<vmem>>, %arg8: memref<512xf32, #tpu.memory_space<vmem>>, %arg9: memref<!tpu.dma_semaphore, #tpu.memory_space<semaphore_mem>>, %arg10: memref<!tpu.dma_semaphore, #tpu.memory_space<semaphore_mem>>, %arg11: memref<!tpu.dma_semaphore, #tpu.memory_space<semaphore_mem>>) attributes {dimension_semantics = [#tpu.dimension_semantics<core_parallel>, #tpu.dimension_semantics<subcore_parallel>], iteration_bounds = array<i64: 2, 16>, scalar_prefetch = 0 : i64, scratch_operands = 6 : i64, tpu.core_type = #tpu.core_type<sc_vector_subcore>, window_params = [{transform_indices = #map}, {transform_indices = #map}, {transform_indices = #map}, {transform_indices = #map}]} {
    %mul3A = arith.constant 2 : i32
    %mul3A_0 = arith.muli %arg1, %mul3A : i32
    %add3A = arith.addi %mul3A_0, %arg0 : i32
    %mul3A_1 = arith.constant 512 : i32
    %mul3A_2 = arith.muli %add3A, %mul3A_1 : i32
    %dma_start3A = arith.constant 0 : i32
    %dma_start3A_3 = tpu.memref_slice %arg6[%dma_start3A] : memref<32xf32, #tpu.memory_space<vmem>> -> memref<26xf32, #tpu.memory_space<vmem>>
    %dma_start3A_4 = arith.constant 0 : i32
    %dma_start3A_5 = tpu.memref_slice %arg6[%dma_start3A_4] : memref<32xf32, #tpu.memory_space<vmem>> -> memref<26xf32, #tpu.memory_space<vmem>>
    tpu.enqueue_dma source(%arg2 : memref<26xf32, #tpu.memory_space<hbm>>) target(%dma_start3A_5 : memref<26xf32, #tpu.memory_space<vmem>>) target_semaphore(%arg9 : memref<!tpu.dma_semaphore, #tpu.memory_space<semaphore_mem>>)
    %dma_start3A_6 = tpu.memref_slice %arg3[%mul3A_2] : memref<16384xi32, #tpu.memory_space<hbm>> -> memref<512xi32, #tpu.memory_space<hbm>>
    %dma_start3A_7 = tpu.memref_slice %arg3[%mul3A_2] : memref<16384xi32, #tpu.memory_space<hbm>> -> memref<512xi32, #tpu.memory_space<hbm>>
    tpu.enqueue_dma source(%dma_start3A_7 : memref<512xi32, #tpu.memory_space<hbm>>) target(%arg7 : memref<512xi32, #tpu.memory_space<vmem>>) target_semaphore(%arg10 : memref<!tpu.dma_semaphore, #tpu.memory_space<semaphore_mem>>)
    %dma_start3A_8 = tpu.memref_slice %arg4[%mul3A_2] : memref<16384xf32, #tpu.memory_space<hbm>> -> memref<512xf32, #tpu.memory_space<hbm>>
    %dma_start3A_9 = tpu.memref_slice %arg4[%mul3A_2] : memref<16384xf32, #tpu.memory_space<hbm>> -> memref<512xf32, #tpu.memory_space<hbm>>
    tpu.enqueue_dma source(%dma_start3A_9 : memref<512xf32, #tpu.memory_space<hbm>>) target(%arg8 : memref<512xf32, #tpu.memory_space<vmem>>) target_semaphore(%arg11 : memref<!tpu.dma_semaphore, #tpu.memory_space<semaphore_mem>>)
    %dma_wait3A = arith.constant 0 : i32
    %dma_wait3A_10 = tpu.memref_slice %arg6[%dma_wait3A] : memref<32xf32, #tpu.memory_space<vmem>> -> memref<26xf32, #tpu.memory_space<vmem>>
    %dma_wait3A_11 = arith.constant 0 : i32
    %dma_wait3A_12 = tpu.memref_slice %arg6[%dma_wait3A_11] : memref<32xf32, #tpu.memory_space<vmem>> -> memref<26xf32, #tpu.memory_space<vmem>>
    tpu.wait_dma2 semaphore(%arg9 : memref<!tpu.dma_semaphore, #tpu.memory_space<semaphore_mem>>) src(%arg2 : memref<26xf32, #tpu.memory_space<hbm>>) dst(%dma_wait3A_12 : memref<26xf32, #tpu.memory_space<vmem>>)
    %iota3A = tpu.iota {dimensions = array<i32: 0>} : vector<16xi32>
    %get3A = arith.constant 0 : index
    %get3A_13 = tpu.vector_load %arg6[%get3A] {strides = array<i32>} : memref<32xf32, #tpu.memory_space<vmem>>, vector<16xf32>,
    %add3A_14 = arith.constant 16 : i32
    %add3A_15 = vector.broadcast %add3A_14 : i32 to vector<16xi32>
    %add3A_16 = arith.addi %iota3A, %add3A_15 : vector<16xi32>
    %min3A = arith.constant 25 : i32
    %min3A_17 = vector.broadcast %min3A : i32 to vector<16xi32>
    %min3A_18 = arith.minsi %add3A_16, %min3A_17 : vector<16xi32>
    %gather3A = tpu.vector_load_idx %arg6[%min3A_18] : memref<32xf32, #tpu.memory_space<vmem>>[vector<16xi32>], vector<16xf32>,
    %abs3A = math.absf %get3A_13 : vector<16xf32>
    %neg3A = arith.constant 0.000000e+00 : f32
    %neg3A_19 = vector.broadcast %neg3A : f32 to vector<16xf32>
    %neg3A_20 = arith.subf %neg3A_19, %abs3A : vector<16xf32>
    %exp3A = math.exp %neg3A_20 : vector<16xf32>
    %add3A_21 = arith.constant 1.000000e+00 : f32
    %add3A_22 = vector.broadcast %add3A_21 : f32 to vector<16xf32>
    %add3A_23 = arith.addf %add3A_22, %exp3A : vector<16xf32>
    %sub3A = arith.constant 1.000000e+00 : f32
    %sub3A_24 = vector.broadcast %sub3A : f32 to vector<16xf32>
    %sub3A_25 = arith.subf %add3A_23, %sub3A_24 : vector<16xf32>
    %add3A_26 = arith.constant 6.000000e+00 : f32
    %add3A_27 = vector.broadcast %add3A_26 : f32 to vector<16xf32>
    %add3A_28 = arith.addf %add3A_27, %sub3A_25 : vector<16xf32>
    %mul3A_29 = arith.mulf %sub3A_25, %add3A_28 : vector<16xf32>
    %mul3A_30 = arith.constant 4.000000e+00 : f32
    %mul3A_31 = vector.broadcast %mul3A_30 : f32 to vector<16xf32>
    %mul3A_32 = arith.mulf %mul3A_31, %sub3A_25 : vector<16xf32>
    %add3A_33 = arith.constant 6.000000e+00 : f32
    %add3A_34 = vector.broadcast %add3A_33 : f32 to vector<16xf32>
    %add3A_35 = arith.addf %add3A_34, %mul3A_32 : vector<16xf32>
    %div3A = arith.divf %mul3A_29, %add3A_35 : vector<16xf32>
    %sub3A_36 = arith.constant 1.000000e+00 : f32
    %sub3A_37 = vector.broadcast %sub3A_36 : f32 to vector<16xf32>
    %sub3A_38 = arith.subf %div3A, %sub3A_37 : vector<16xf32>
    %neg3A_39 = arith.constant 0.000000e+00 : f32
    %neg3A_40 = vector.broadcast %neg3A_39 : f32 to vector<16xf32>
    %neg3A_41 = arith.subf %neg3A_40, %div3A : vector<16xf32>
    %exp3A_42 = math.exp %neg3A_41 : vector<16xf32>
    %mul3A_43 = arith.mulf %add3A_23, %exp3A_42 : vector<16xf32>
    %add3A_44 = arith.addf %sub3A_38, %mul3A_43 : vector<16xf32>
    %max3A = arith.constant 0.000000e+00 : f32
    %max3A_45 = vector.broadcast %max3A : f32 to vector<16xf32>
    %max3A_46 = arith.maximumf %get3A_13, %max3A_45 : vector<16xf32>
    %add3A_47 = arith.addf %max3A_46, %add3A_44 : vector<16xf32>
    %abs3A_48 = math.absf %gather3A : vector<16xf32>
    %neg3A_49 = arith.constant 0.000000e+00 : f32
    %neg3A_50 = vector.broadcast %neg3A_49 : f32 to vector<16xf32>
    %neg3A_51 = arith.subf %neg3A_50, %abs3A_48 : vector<16xf32>
    %exp3A_52 = math.exp %neg3A_51 : vector<16xf32>
    %add3A_53 = arith.constant 1.000000e+00 : f32
    %add3A_54 = vector.broadcast %add3A_53 : f32 to vector<16xf32>
    %add3A_55 = arith.addf %add3A_54, %exp3A_52 : vector<16xf32>
    %sub3A_56 = arith.constant 1.000000e+00 : f32
    %sub3A_57 = vector.broadcast %sub3A_56 : f32 to vector<16xf32>
    %sub3A_58 = arith.subf %add3A_55, %sub3A_57 : vector<16xf32>
    %add3A_59 = arith.constant 6.000000e+00 : f32
    %add3A_60 = vector.broadcast %add3A_59 : f32 to vector<16xf32>
    %add3A_61 = arith.addf %add3A_60, %sub3A_58 : vector<16xf32>
    %mul3A_62 = arith.mulf %sub3A_58, %add3A_61 : vector<16xf32>
    %mul3A_63 = arith.constant 4.000000e+00 : f32
    %mul3A_64 = vector.broadcast %mul3A_63 : f32 to vector<16xf32>
    %mul3A_65 = arith.mulf %mul3A_64, %sub3A_58 : vector<16xf32>
    %add3A_66 = arith.constant 6.000000e+00 : f32
    %add3A_67 = vector.broadcast %add3A_66 : f32 to vector<16xf32>
    %add3A_68 = arith.addf %add3A_67, %mul3A_65 : vector<16xf32>
    %div3A_69 = arith.divf %mul3A_62, %add3A_68 : vector<16xf32>
    %sub3A_70 = arith.constant 1.000000e+00 : f32
    %sub3A_71 = vector.broadcast %sub3A_70 : f32 to vector<16xf32>
    %sub3A_72 = arith.subf %div3A_69, %sub3A_71 : vector<16xf32>
    %neg3A_73 = arith.constant 0.000000e+00 : f32
    %neg3A_74 = vector.broadcast %neg3A_73 : f32 to vector<16xf32>
    %neg3A_75 = arith.subf %neg3A_74, %div3A_69 : vector<16xf32>
    %exp3A_76 = math.exp %neg3A_75 : vector<16xf32>
    %mul3A_77 = arith.mulf %add3A_55, %exp3A_76 : vector<16xf32>
    %add3A_78 = arith.addf %sub3A_72, %mul3A_77 : vector<16xf32>
    %max3A_79 = arith.constant 0.000000e+00 : f32
    %max3A_80 = vector.broadcast %max3A_79 : f32 to vector<16xf32>
    %max3A_81 = arith.maximumf %gather3A, %max3A_80 : vector<16xf32>
    %add3A_82 = arith.addf %max3A_81, %add3A_78 : vector<16xf32>
    %lt3A = arith.constant 10 : i32
    %lt3A_83 = vector.broadcast %lt3A : i32 to vector<16xi32>
    %lt3A_84 = arith.cmpi slt, %iota3A, %lt3A_83 : vector<16xi32>
    %jit3A = arith.constant 0.000000e+00 : f32
    %broadcast_in_dim3A = vector.broadcast %jit3A : f32 to vector<16xf32>
    %select_n3A = arith.select %lt3A_84, %add3A_82, %broadcast_in_dim3A : vector<16xi1>, vector<16xf32>
    %add3A_85 = arith.addf %add3A_47, %select_n3A : vector<16xf32>
    %swap3A = arith.constant 0 : index
    %swap3A_86 = tpu.vector_load %arg6[%swap3A] {strides = array<i32>} : memref<32xf32, #tpu.memory_space<vmem>>, vector<16xf32>,
    tpu.vector_store %arg6[%swap3A], %add3A_85 {strides = array<i32>} : memref<32xf32, #tpu.memory_space<vmem>>, vector<16xf32>,
    %xor3A = arith.constant 8 : i32
    %xor3A_87 = vector.broadcast %xor3A : i32 to vector<16xi32>
    %xor3A_88 = arith.xori %iota3A, %xor3A_87 : vector<16xi32>
    %gather3A_89 = tpu.vector_load_idx %arg6[%xor3A_88] : memref<32xf32, #tpu.memory_space<vmem>>[vector<16xi32>], vector<16xf32>,
    %add3A_90 = arith.addf %add3A_85, %gather3A_89 : vector<16xf32>
    %swap3A_91 = arith.constant 0 : index
    %swap3A_92 = tpu.vector_load %arg6[%swap3A_91] {strides = array<i32>} : memref<32xf32, #tpu.memory_space<vmem>>, vector<16xf32>,
    tpu.vector_store %arg6[%swap3A_91], %add3A_90 {strides = array<i32>} : memref<32xf32, #tpu.memory_space<vmem>>, vector<16xf32>,
    %xor3A_93 = arith.constant 4 : i32
    %xor3A_94 = vector.broadcast %xor3A_93 : i32 to vector<16xi32>
    %xor3A_95 = arith.xori %iota3A, %xor3A_94 : vector<16xi32>
    %gather3A_96 = tpu.vector_load_idx %arg6[%xor3A_95] : memref<32xf32, #tpu.memory_space<vmem>>[vector<16xi32>], vector<16xf32>,
    %add3A_97 = arith.addf %add3A_90, %gather3A_96 : vector<16xf32>
    %swap3A_98 = arith.constant 0 : index
    %swap3A_99 = tpu.vector_load %arg6[%swap3A_98] {strides = array<i32>} : memref<32xf32, #tpu.memory_space<vmem>>, vector<16xf32>,
    tpu.vector_store %arg6[%swap3A_98], %add3A_97 {strides = array<i32>} : memref<32xf32, #tpu.memory_space<vmem>>, vector<16xf32>,
    %xor3A_100 = arith.constant 2 : i32
    %xor3A_101 = vector.broadcast %xor3A_100 : i32 to vector<16xi32>
    %xor3A_102 = arith.xori %iota3A, %xor3A_101 : vector<16xi32>
    %gather3A_103 = tpu.vector_load_idx %arg6[%xor3A_102] : memref<32xf32, #tpu.memory_space<vmem>>[vector<16xi32>], vector<16xf32>,
    %add3A_104 = arith.addf %add3A_97, %gather3A_103 : vector<16xf32>
    %swap3A_105 = arith.constant 0 : index
    %swap3A_106 = tpu.vector_load %arg6[%swap3A_105] {strides = array<i32>} : memref<32xf32, #tpu.memory_space<vmem>>, vector<16xf32>,
    tpu.vector_store %arg6[%swap3A_105], %add3A_104 {strides = array<i32>} : memref<32xf32, #tpu.memory_space<vmem>>, vector<16xf32>,
    %xor3A_107 = arith.constant 1 : i32
    %xor3A_108 = vector.broadcast %xor3A_107 : i32 to vector<16xi32>
    %xor3A_109 = arith.xori %iota3A, %xor3A_108 : vector<16xi32>
    %gather3A_110 = tpu.vector_load_idx %arg6[%xor3A_109] : memref<32xf32, #tpu.memory_space<vmem>>[vector<16xi32>], vector<16xf32>,
    %add3A_111 = arith.addf %add3A_104, %gather3A_110 : vector<16xf32>
    %div3A_112 = arith.constant 2.600000e+01 : f32
    %div3A_113 = vector.broadcast %div3A_112 : f32 to vector<16xf32>
    %div3A_114 = arith.divf %div3A_113, %add3A_111 : vector<16xf32>
    %mul3A_115 = arith.mulf %add3A_47, %div3A_114 : vector<16xf32>
    %swap3A_116 = arith.constant 0 : index
    %swap3A_117 = tpu.vector_load %arg6[%swap3A_116] {strides = array<i32>} : memref<32xf32, #tpu.memory_space<vmem>>, vector<16xf32>,
    tpu.vector_store %arg6[%swap3A_116], %mul3A_115 {strides = array<i32>} : memref<32xf32, #tpu.memory_space<vmem>>, vector<16xf32>,
    %mul3A_118 = arith.mulf %add3A_82, %div3A_114 : vector<16xf32>
    %swap3A_119 = arith.constant 16 : index
    %swap3A_120 = tpu.vector_load %arg6[%swap3A_119] {strides = array<i32>} : memref<32xf32, #tpu.memory_space<vmem>>, vector<16xf32>,
    tpu.vector_store %arg6[%swap3A_119], %mul3A_118 {strides = array<i32>} : memref<32xf32, #tpu.memory_space<vmem>>, vector<16xf32>,
    %dma_wait3A_121 = tpu.memref_slice %arg3[%mul3A_2] : memref<16384xi32, #tpu.memory_space<hbm>> -> memref<512xi32, #tpu.memory_space<hbm>>
    %dma_wait3A_122 = tpu.memref_slice %arg3[%mul3A_2] : memref<16384xi32, #tpu.memory_space<hbm>> -> memref<512xi32, #tpu.memory_space<hbm>>
    tpu.wait_dma2 semaphore(%arg10 : memref<!tpu.dma_semaphore, #tpu.memory_space<semaphore_mem>>) src(%dma_wait3A_122 : memref<512xi32, #tpu.memory_space<hbm>>) dst(%arg7 : memref<512xi32, #tpu.memory_space<vmem>>)
    %dma_wait3A_123 = tpu.memref_slice %arg4[%mul3A_2] : memref<16384xf32, #tpu.memory_space<hbm>> -> memref<512xf32, #tpu.memory_space<hbm>>
    %dma_wait3A_124 = tpu.memref_slice %arg4[%mul3A_2] : memref<16384xf32, #tpu.memory_space<hbm>> -> memref<512xf32, #tpu.memory_space<hbm>>
    tpu.wait_dma2 semaphore(%arg11 : memref<!tpu.dma_semaphore, #tpu.memory_space<semaphore_mem>>) src(%dma_wait3A_124 : memref<512xf32, #tpu.memory_space<hbm>>) dst(%arg8 : memref<512xf32, #tpu.memory_space<vmem>>)
    %parallel_loop3A = arith.constant 0 : i32
    %parallel_loop3A_125 = arith.constant 512 : i32
    %parallel_loop3A_126 = arith.constant 16 : i32
    scf.for %parallel_loop3A_127 = %parallel_loop3A to %parallel_loop3A_125 step %parallel_loop3A_126  : i32 {
      %parallel_loop3A_128 = arith.index_cast %parallel_loop3A_127 : i32 to index
      %parallel_loop3A_129 = tpu.vector_load %arg7[%parallel_loop3A_128] {strides = array<i32>} : memref<512xi32, #tpu.memory_space<vmem>>, vector<16xi32>,
      %parallel_loop3A_130 = tpu.vector_load_idx %arg6[%parallel_loop3A_129] : memref<32xf32, #tpu.memory_space<vmem>>[vector<16xi32>], vector<16xf32>,
      %parallel_loop3A_131 = arith.index_cast %parallel_loop3A_127 : i32 to index
      %parallel_loop3A_132 = tpu.vector_load %arg8[%parallel_loop3A_131] {strides = array<i32>} : memref<512xf32, #tpu.memory_space<vmem>>, vector<16xf32>,
      %parallel_loop3A_133 = arith.mulf %parallel_loop3A_132, %parallel_loop3A_130 : vector<16xf32>
      %parallel_loop3A_134 = arith.index_cast %parallel_loop3A_127 : i32 to index
      %parallel_loop3A_135 = tpu.vector_load %arg8[%parallel_loop3A_134] {strides = array<i32>} : memref<512xf32, #tpu.memory_space<vmem>>, vector<16xf32>,
      tpu.vector_store %arg8[%parallel_loop3A_134], %parallel_loop3A_133 {strides = array<i32>} : memref<512xf32, #tpu.memory_space<vmem>>, vector<16xf32>,
    } {sc.loop_unroll_factor = 8 : i64, sc.parallel_access}
    "tpu.region"() ({
      %run_scoped3A = tpu.sem_alloc : memref<!tpu.dma_semaphore, #tpu.memory_space<semaphore_mem>>
      %dma_start3A_127 = tpu.memref_slice %arg5[%mul3A_2] : memref<16384xf32, #tpu.memory_space<hbm>> -> memref<512xf32, #tpu.memory_space<hbm>>
      %dma_start3A_128 = tpu.memref_slice %arg5[%mul3A_2] : memref<16384xf32, #tpu.memory_space<hbm>> -> memref<512xf32, #tpu.memory_space<hbm>>
      tpu.enqueue_dma source(%arg8 : memref<512xf32, #tpu.memory_space<vmem>>) target(%dma_start3A_128 : memref<512xf32, #tpu.memory_space<hbm>>) target_semaphore(%run_scoped3A : memref<!tpu.dma_semaphore, #tpu.memory_space<semaphore_mem>>)
      %dma_wait3A_129 = tpu.memref_slice %arg5[%mul3A_2] : memref<16384xf32, #tpu.memory_space<hbm>> -> memref<512xf32, #tpu.memory_space<hbm>>
      %dma_wait3A_130 = tpu.memref_slice %arg5[%mul3A_2] : memref<16384xf32, #tpu.memory_space<hbm>> -> memref<512xf32, #tpu.memory_space<hbm>>
      tpu.wait_dma2 semaphore(%run_scoped3A : memref<!tpu.dma_semaphore, #tpu.memory_space<semaphore_mem>>) src(%arg8 : memref<512xf32, #tpu.memory_space<vmem>>) dst(%dma_wait3A_130 : memref<512xf32, #tpu.memory_space<hbm>>)
      tpu.yield
    }) : () -> ()
    return
  }
}

</mosaic_0001>

<sc_bundles>
// kernel: kernel.3.cloned.1.call-start
scs
__scs_entry_jumppad:
0x0: {  	(pc) =	sbr.rel $0x88, $3  }
0x1: {  	(tag) =	ssettag $0x0;
	lr =	simm.s32 $0x1  }
0x2: {  	[smem:$0x3F9E] =	sst lr;
	_ =	strace $0xD0000000  }
0x3: {  	_ = 	snop  }
0x4: {  	_ = 	snop  }
0x5: {  	_ = 	snop  }
0x6: {  	_ = 	snop  }
0x7: {  	_ = 	snop  }
__scs_overlays_trampoline_lowered:
0x8: {  	[smem:$0x3FAD] =	sst s0  }
0x9: {  	[smem:$0x3FAE] =	sst s1  }
0xa: {  	[smem:$0x3FAF] =	sst s2  }
0xb: {  	[smem:$0x3FB0] =	sst s3  }
0xc: {  	[smem:$0x3FB1] =	sst s4  }
0xd: {  	[smem:$0x3FB2] =	sst s5  }
0xe: {  	[smem:$0x3FB3] =	sst s6  }
0xf: {  	[smem:$0x3FB4] =	sst s7  }
0x10: {  	[smem:$0x3FB5] =	sst s8  }
0x11: {  	[smem:$0x3FB6] =	sst s9;
	s0 =	simm.s32 @!p0 $0x0  }
0x12: {  	s1 =	sld [smem:$0x3F9C];
	s0 =	simm.s32 @p0 $0x1  }
0x13: {  	[smem:$0x3FB7] =	sst s0;
	s0 =	simm.s32 @!p1 $0x0  }
0x14: {  	s2 =	sld [smem:$0x3F9B];
	s0 =	simm.s32 @p1 $0x1  }
0x15: {  	[smem:$0x3FB8] =	sst s0;
	s0 =	simm.s32 @!p2 $0x0  }
0x16: {  	s3 =	sld [smem:$0x3FDB];
	s0 =	simm.s32 @p2 $0x1  }
0x17: {  	s4 =	simm.s32 $0x1BF5;
	[smem:$0x3FBA] =	sst s0  }
0x18: {  	s0 =	sld [smem:$0x3F9D];
	_ =	swait.ge [sflag:s4], $0x0  }
0x19: {  	s7 =	sld [smem:$0x3F9E]  }
0x1a: {  	s8 =	sadd.s32 $0xFFFFE003, lr  }
0x1b: {  	s9 =	sadd.s32 $0xFFFFFEF7, lr;
	s5 =	simm.s32 $0xFFFFFFFF;
	p2 =	slt.u32 s8, $0xFFFFF086  }
0x1c: {  	p1 =	slt.u32 s9, $0xF7A;
	s5 =	simm.s32 @!p2 $0x0  }
0x1d: {  	s5 =	simm.s32 @p1 $0x1;
	p0 =	seq.s32 s7, s2  }
0x1e: {  	s7 =	smul.u32 @!p0 $0xF7A, s2;
	p2 =	seq.s32 @!p0 s5, $0x0  }
0x1f: {  	s9 =	smul.u32 $0xF7A, s1;
	s8 =	simm.s32 @!p0 $0x1BF5;
	p2 =	por !p2, p0  }
0x20: {  	[sflag:s8] =	ssyncset.s32 @!p0 $0xFFFFF086;
	s6 =	sadd.s32 @!p0 s3, s7;
	s7 =	simm.s32 @!p0 $0x108  }
0x21: {  	s3 =	sadd.s32 s3, s9;
	s6 =	sadd.s32 @!p0 $0x88, s6;
	s7 =	simm.s32 @p2 $0x1082  }
0x22: {  	[simem:s7], [sflag:s8] =	dma.local @!p0 [hbm:s6], $0xF7A  }
0x23: {  	s9 =	sor.u32 $0xD0000000, s2;
	s6 =	simm.s32 $0x108;
	_ =	swait.ge @!p0 [sflag:s8], $0x0  }
0x24: {  	s3 =	sadd.s32 $0x88, s3;
	s6 =	simm.s32 @!p1 $0x1082;
	[sflag:s4] =	ssyncset.s32 $0xFFFFF086  }
0x25: {  	[simem:s6], [sflag:s4] =	dma.local [hbm:s3], $0xF7A  }
0x26: {  	[smem:$0x3F9E] =	sst s1;
	(tag) =	ssettag s2;
	_ =	strace s9  }
0x27: {  	s1 =	sld [smem:$0x3FAE]  }
0x28: {  	s2 =	sld [smem:$0x3FAF]  }
0x29: {  	s4 =	sld [smem:$0x3FB1]  }
0x2a: {  	p0 =	seq.s32 s5, $0x0;
	s5 =	sld [smem:$0x3FB2]  }
0x2b: {  	s6 =	sld [smem:$0x3FB3]  }
0x2c: {  	s7 =	sld [smem:$0x3FB4]  }
0x2d: {  	s3 =	simm.s32 $0x108;
	s8 =	sld [smem:$0x3FB5]  }
0x2e: {  	s3 =	simm.s32 @!p0 $0x1082;
	s9 =	sld [smem:$0x3FB6]  }
0x2f: {  	lr =	sadd.s32 s0, s3;
	s0 =	sld [smem:$0x3FAD]  }
0x30: {  	s3 =	sld [smem:$0x3FB0]  }
0x31: {  	[smem:$0x3FB9] =	sst s10  }
0x32: {  	s10 =	sld [smem:$0x3FB7];
	_ =	sdelay $0x3  }
0x33: {  	p0 =	seq.s32 s10, $0x1;
	s10 =	sld [smem:$0x3FB9];
	_ =	sdelay $0x3  }
0x34: {  	[smem:$0x3FB9] =	sst s10  }
0x35: {  	s10 =	sld [smem:$0x3FB8];
	_ =	sdelay $0x3  }
0x36: {  	p1 =	seq.s32 s10, $0x1;
	s10 =	sld [smem:$0x3FB9];
	_ =	sdelay $0x3  }
0x37: {  	[smem:$0x3FB9] =	sst s10  }
0x38: {  	s10 =	sld [smem:$0x3FBA]  }
0x39: {  	_ = 	snop;
	(pc) =	sbr.ind lr, $3  }
0x3a: {  	_ = 	snop  }
0x3b: {  	_ = 	snop  }
0x3c: {  	p2 =	seq.s32 s10, $0x1;
	s10 =	sld [smem:$0x3FB9]  }
0x3d: {  	_ =	shalt  }
0x3e: {  	_ =	shalt  }
0x3f: {  	_ =	shalt  }
0x40: {  	_ =	shalt  }
0x41: {  	_ =	shalt  }
0x42: {  	_ =	shalt  }
0x43: {  	_ =	shalt  }
0x44: {  	_ =	shalt  }
0x45: {  	_ =	shalt  }
0x46: {  	_ =	shalt  }
0x47: {  	_ =	shalt  }
0x48: {  	_ =	shalt  }
0x49: {  	_ =	shalt  }
0x4a: {  	_ =	shalt  }
0x4b: {  	_ =	shalt  }
0x4c: {  	_ =	shalt  }
0x4d: {  	_ =	shalt  }
0x4e: {  	_ =	shalt  }
0x4f: {  	_ =	shalt  }
0x50: {  	_ =	shalt  }
0x51: {  	_ =	shalt  }
0x52: {  	_ =	shalt  }
0x53: {  	_ =	shalt  }
0x54: {  	_ =	shalt  }
0x55: {  	_ =	shalt  }
0x56: {  	_ =	shalt  }
0x57: {  	_ =	shalt  }
0x58: {  	_ =	shalt  }
0x59: {  	_ =	shalt  }
0x5a: {  	_ =	shalt  }
0x5b: {  	_ =	shalt  }
0x5c: {  	_ =	shalt  }
0x5d: {  	_ =	shalt  }
0x5e: {  	_ =	shalt  }
0x5f: {  	_ =	shalt  }
0x60: {  	_ =	shalt  }
0x61: {  	_ =	shalt  }
0x62: {  	_ =	shalt  }
0x63: {  	_ =	shalt  }
0x64: {  	_ =	shalt  }
0x65: {  	_ =	shalt  }
0x66: {  	_ =	shalt  }
0x67: {  	_ =	shalt  }
0x68: {  	_ =	shalt  }
0x69: {  	_ =	shalt  }
0x6a: {  	_ =	shalt  }
0x6b: {  	_ =	shalt  }
0x6c: {  	_ =	shalt  }
0x6d: {  	_ =	shalt  }
0x6e: {  	_ =	shalt  }
0x6f: {  	_ =	shalt  }
0x70: {  	_ =	shalt  }
0x71: {  	_ =	shalt  }
0x72: {  	_ =	shalt  }
0x73: {  	_ =	shalt  }
0x74: {  	_ =	shalt  }
0x75: {  	_ =	shalt  }
0x76: {  	_ =	shalt  }
0x77: {  	_ =	shalt  }
0x78: {  	_ =	shalt  }
0x79: {  	_ =	shalt  }
0x7a: {  	_ =	shalt  }
0x7b: {  	_ =	shalt  }
0x7c: {  	_ =	shalt  }
0x7d: {  	_ =	shalt  }
0x7e: {  	_ =	shalt  }
0x7f: {  	_ =	shalt  }
0x80: {  	_ =	shalt  }
0x81: {  	_ =	shalt  }
0x82: {  	_ =	shalt  }
0x83: {  	_ =	shalt  }
0x84: {  	_ =	shalt  }
0x85: {  	_ =	shalt  }
0x86: {  	_ =	shalt  }
0x87: {  	_ =	shalt  }
.Lfunc_end0:
.L_simem_size_0:
called_computation_lowered:
.L_overlay_start_0:
0x88: {  	s2 =	sld [smem:$0x3FD9]  }
0x89: {  	s3 =	sld [smem:$0x3FFE];
	_ =	sdelay $0x1  }
0x8a: {  	s1 =	srdreg.scid  }
0x8b: {  	s0 =	sand.u32 $0x1, s1  }
0x8c: {  	s18 =	sshll.u32 s0, $0xA;
	s2 =	sadd.s32 s3, s2  }
0x8d: {  	s2 =	sadd.s32 s2, s18  }
0x8e: {  	[smem:$0x3FC5] =	sst s2  }
0x8f: {  	_ = 	snop  }
0x90: {  	s2 =	sld [smem:$0x3FC9]  }
0x91: {  	s19 =	sld [smem:$0x3FC8]  }
0x92: {  	s4 =	sld [smem:$0x3FC7]  }
0x93: {  	s5 =	sld [smem:$0x3FD0];
	(tm) =	ssettm $0x1  }
0x94: {  	s6 =	sld [smem:$0x3FFB];
	_ =	sdelay $0x3  }
0x95: {  	_ =	strace s6  }
0x96: {  	s6 =	sld [smem:$0x3FFC];
	_ =	sdelay $0x3  }
0x97: {  	_ =	strace s6  }
0x98: {  	s6 =	sld [smem:$0x3FFD];
	_ =	sdelay $0x3  }
0x99: {  	_ =	strace s6  }
0x9a: {  	_ =	strace $0x8FFFFFFF  }
0x9b: {  	s20 =	sld [smem:$0x3FDB];
	_ =	sdelay $0x1  }
0x9c: {  	s7 =	simm.s32 $_scs_section_size  }
0x9d: {  	s8 =	simm.s32 $_size__tile_overlayer_lowered;
	s9 =	simm.s32 $_tile_overlayer_lowered  }
0x9e: {  	s23 =	simm.s32 $0x1BFF;
	s22 =	sshll.u32 s9, $0x1;
	s6 =	sadd.s32 s7, s20  }
0x9f: {  	s10 =	simm.s32 $0x0;
	s21 =	sshll.u32 s8, $0x1;
	s8 =	sadd.s32 s22, s6  }
0xa0: {  	[timem:s10], [sflag:s23] =	dma.local [hbm:s8], s21  }
0xa1: {  	_ =	swait.ge [sflag:s23], s21  }
0xa2: {  	s7 =	ssub.s32 $0x0, s21;
	[sflag:s23] =	ssyncset.done $0x0  }
0xa3: {  	[sflag:s23] =	ssyncadd.s32 s7;
	_ =	sdelay $0x1  }
0xa4: {  	s24 =	simm.s32 $0x1B8B  }
0xa5: {  	_ =	swait.ge [sflag:s24], $0x1  }
0xa6: {  	[sflag:s24] =	ssyncset.done $0x0  }
0xa7: {  	s25 =	simm.s32 $0x1B8E;
	[sflag:s24] =	ssyncadd.s32 $0xFFFFFFFF  }
0xa8: {  	s26 =	simm.s32 $execute0_lowered;
	[smem:$0x3FD2] =	sst s25  }
0xa9: {  	s7 =	sshll.u32 s26, $0x1;
	_ =	strace $0x80000046;
	[dreg:$0x1] =	wrdreg $0xFFFFFFFF  }
0xaa: {  	s28 =	simm.s32 $_size_execute0_lowered;
	s6 =	sadd.s32 s6, s7;
	[dreg:$0x0] =	wrdreg $0x0  }
0xab: {  	s7 =	sshll.u32 s28, $0x1;
	[dreg:$0x2] =	wrdreg s6  }
0xac: {  	[dreg:$0x3] =	wrdreg s7  }
0xad: {  	[dreg:$0x4] =	wrdreg $0xC0  }
0xae: {  	_ =	task [dreg:s10], $0x5FFFF  }
0xaf: {  	[dreg:$0x1] =	wrdreg $0xFFFFFFFF  }
0xb0: {  	[dreg:$0x0] =	wrdreg $0x60  }
0xb1: {  	[dreg:$0x2] =	wrdreg s4  }
0xb2: {  	[dreg:$0x3] =	wrdreg s2  }
0xb3: {  	[dreg:$0x4] =	wrdreg s19  }
0xb4: {  	[dreg:$0x5] =	wrdreg s5  }
0xb5: {  	[dreg:$0x6] =	wrdreg $0x9  }
0xb6: {  	_ =	task.clear_ibuf [dreg:s10], $0x7FFFF;
	_ =	strace $0x90000046  }
0xb7: {  	s29 =	simm.s32 $0x9;
	_ =	strace $0x80000048  }
0xb8: {  	_ =	swait.ge [sflag:s29], $0x1  }
0xb9: {  	[sflag:s29] =	ssyncadd.s32 $0xFFFFFFFF  }
0xba: {  	_ =	strace $0x90000048  }
0xbb: {  	_ =	sfence  }
0xbc: {  	s30 =	sld [smem:$0x0];
	_ =	sdelay $0x2  }
0xbd: {  	s31 =	sshll.u32 s1, $0xD;
	s1 =	sshrl.u32 s1, $0x2  }
0xbe: {  	s3 =	sand.u32 $0x4000, s31;
	s1 =	sadd.s32 s1, s30  }
0xbf: {  	s0 =	sor.u32 s3, s0;
	s1 =	sshll.u32 s1, $0x11  }
0xc0: {  	s0 =	sor.u32 s1, s0  }
0xc1: {  	s0 =	sadd.s32 $0x8F2B, s0  }
0xc2: {  	[sflag:s0] =	ssyncadd.remote.s32 $0x1  }
0xc3: {  	_ =	sfence.sel $0xFFFF  }
0xc4: {  	[dreg:$0x0] =	wrdreg $0xFFFFFFFF;
	(pc) =	sbr.abs _section_cstart, $3  }
0xc5: {  	[dreg:$0x1] =	wrdreg $0xFFFFFFFF  }
0xc6: {  	_ =	task.clear_ibuf [dreg:s10], $0x2FFFF;
	_ =	strace $0x9FFFFFFF  }
0xc7: {  	(tm) =	ssettm $0x7FFFFFFF  }
tec
execute0_lowered:
.L_overlay_start_1:
0x0: {  	(tag) =	ssettag $0x1  }
0x1: {  	v0 =	vimm.s32 $0x13121110  }
0x2: {  	v1 =	vimm.s32 $0x17161514;
	vm0 =	vcmask $0xF00;
	v2 =	vimm.s32 $0xFEDCBA98  }
0x3: {  	v3 =	vimm.s32 $0xBA98FEDC;
	v4 =	vimm.s32 $0x32107654;
	v5 =	vimm.s32 $0xDCFE98BA  }
0x4: {  	s0 =	rddreg [dreg:$0x0];
	v6 =	vimm.s32 $0x54761032;
	v7 =	vimm.s32 $0xEFCDAB89;
	v8 =	vimm.s32 $0x67452301  }
0x5: {  	s4 =	rddreg [dreg:$0x1];
	v0 =	vunpack.c.0.s8.s32 v0;
	v1 =	vunpack.c.0.s8.s32 v1;
	v2 =	vunpack.c.l.s4.s8 v2  }
0x6: {  	s5 =	rddreg [dreg:$0x2];
	v3 =	vunpack.c.l.s4.s8 v3;
	v4 =	vunpack.c.l.s4.s8 v4;
	v5 =	vunpack.c.l.s4.s8 v5  }
0x7: {  	s6 =	rddreg [dreg:$0x3];
	v6 =	vunpack.c.l.s4.s8 v6;
	v7 =	vunpack.c.l.s4.s8 v7;
	v8 =	vunpack.c.l.s4.s8 v8  }
0x8: {  	s1 =	rddreg [dreg:$0x4];
	s2 =	simm.s32 $0x0;
	s7 =	srdreg.scid;
	v0 =	vnsel vm0, $0x19, v0;
	vm0 =	vcmask $0x1F10;
	v3 =	vunpack.c.0.s8.s32 v3  }
0x9: {  	s3 =	stileid.u32;
	s11 =	simm.s32 $0x2;
	s12 =	simm.s32 $0x3;
	v4 =	vunpack.c.0.s8.s32 v4;
	v0 =	vsel vm0, v1, v0;
	v1 =	vimm.s32 $0x76543210  }
0xa: {  	s13 =	simm.s32 $0x4;
	s14 =	simm.s32 $0x0;
	s7 =	sand.u32 $0x1, s7;
	v5 =	vunpack.c.0.s8.s32 v5;
	v6 =	vunpack.c.0.s8.s32 v6;
	v1 =	vunpack.c.l.s4.s8 v1  }
0xb: {  	[smem:$0x7FF] =	sst s2;
	s9 =	sshll.u32 s3, $0x7;
	s8 =	ssub.s32 $0x2, s7;
	v2 =	vunpack.c.0.s8.s32 v2;
	v7 =	vunpack.c.0.s8.s32 v7;
	v8 =	vunpack.c.0.s8.s32 v8  }
0xc: {  	s7 =	sshll.u32 s7, $0x6;
	_ =	strace $0x80000047;
	s10 =	sshrl.u32 s8, $0x1;
	vm0 =	vcmask $0x2320;
	v3 =	vcombine.low v4, v3;
	v1 =	vunpack.c.0.s8.s32 v1  }
0xd: {  	s7 =	sor.u32 s7, s9;
	s9 =	simm.s32 $0x220;
	s8 =	ssub.s32 s8, s10;
	v4 =	vcombine.low v6, v5;
	v5 =	vcombine.low v8, v7;
	v2 =	vand.u32 $0xF, v2  }
0xe: {  	s4 =	sadd.s32 s4, s7;
	s5 =	sadd.s32 s5, s7;
	s6 =	sadd.s32 s6, s7;
	v0 =	vsel vm0, $0x18, v0;
	vm0 =	vmmov $0x3ff;
	v1 =	vcombine.low v2, v1  }
0xf: {  	s10 =	simm.s32 $0x1;
	s7 =	smax.u32 s8, $0x1;
	s8 =	simm.s32 $0x20;
	v2 =	vand.u32 $0xF, v3;
	v3 =	vand.u32 $0xF, v4;
	v4 =	vand.u32 $0xF, v5  }
.LBB2_1:
0x10: {  	[tilespmem:s2], [sflag:$0x1] =	stream.linear.gather [hbm4b:s0+s2], $0x1A, $0x38;
	[tilespmem:$0x420] =	vst v63  }
0x11: {  	_ = 	snop  }
0x12: {  	[tilespmem:s8], [sflag:$0x2] =	stream.linear.gather [hbm4b:s4+s2], $0x200, $0x38;
	[tilespmem:$0x420] =	vst v63  }
0x13: {  	_ = 	snop  }
0x14: {  	[tilespmem:s9], [sflag:$0x3] =	stream.linear.gather [hbm4b:s5+s2], $0x200, $0x38;
	[tilespmem:$0x420] =	vst v63  }
0x15: {  	_ =	swait.ge [sflag:s10], $0x1A  }
0x16: {  	[sflag:s10] =	ssyncset.done $0x0  }
0x17: {  	[sflag:s10] =	ssyncadd.s32 $0xFFFFFFE6  }
0x18: {  	v5 =	vld [tilespmem:$0x0];
	_ =	sdelay $0x4  }
0x19: {  	v6 =	vand.u32 $0x7FFFFFFF, v5  }
0x1a: {  	v6 =	vsub.f32 $0.0e+00, v6;
	_ =	sdelay $0x1  }
0x1b: {  	v6 =	vmul.f32 $1.442695020e+00, v6;
	_ =	sdelay $0x1  }
0x1c: {  	(erf) = vpow2.f32 v6;
	_ =	sdelay $0x8  }
0x1d: {  	v6 =	vpop (erf)  }
0x1e: {  	v6 =	vadd.f32 $1.000000000e+00, v6;
	_ =	sdelay $0x1  }
0x1f: {  	v7 =	vadd.f32 $-1.000000000e+00, v6;
	_ =	sdelay $0x1  }
0x20: {  	v8 =	vmul.f32 $4.000000000e+00, v7;
	_ =	sdelay $0x1  }
0x21: {  	v8 =	vadd.f32 $6.000000000e+00, v8;
	_ =	sdelay $0x1  }
0x22: {  	(erf) = vrcp.f32 v8;
	_ =	sdelay $0x4  }
0x23: {  	v8 =	vadd.f32 $6.000000000e+00, v7;
	_ =	sdelay $0x1  }
0x24: {  	v9 =	vld.idx.msk [tilespmem:v0+s2+$0x0], $0xffff  }
0x25: {  	v7 =	vmul.f32 v8, v7  }
0x26: {  	v8 =	vpop (erf)  }
0x27: {  	v7 =	vmul.f32 v8, v7;
	_ =	sdelay $0x1  }
0x28: {  	v10 =	vand.u32 $0x7FFFFFFF, v9;
	v8 =	vsub.f32 $0.0e+00, v7  }
0x29: {  	v10 =	vsub.f32 $0.0e+00, v10  }
0x2a: {  	v8 =	vmul.f32 $1.442695020e+00, v8  }
0x2b: {  	v10 =	vmul.f32 $1.442695020e+00, v10  }
0x2c: {  	(erf) = vpow2.f32 v8  }
0x2d: {  	(erf) = vpow2.f32 v10;
	_ =	sdelay $0x7  }
0x2e: {  	v8 =	vpop (erf)  }
0x2f: {  	v10 =	vpop (erf)  }
0x30: {  	v10 =	vadd.f32 $1.000000000e+00, v10;
	_ =	sdelay $0x1  }
0x31: {  	v11 =	vadd.f32 $-1.000000000e+00, v10;
	_ =	sdelay $0x1  }
0x32: {  	v12 =	vmul.f32 $4.000000000e+00, v11;
	_ =	sdelay $0x1  }
0x33: {  	v12 =	vadd.f32 $6.000000000e+00, v12;
	_ =	sdelay $0x1  }
0x34: {  	(erf) = vrcp.f32 v12;
	_ =	sdelay $0x4  }
0x35: {  	v12 =	vadd.f32 $6.000000000e+00, v11;
	_ =	sdelay $0x2  }
0x36: {  	v11 =	vmul.f32 v12, v11  }
0x37: {  	v12 =	vpop (erf)  }
0x38: {  	v11 =	vmul.f32 v12, v11;
	_ =	sdelay $0x1  }
0x39: {  	v12 =	vsub.f32 $0.0e+00, v11;
	_ =	sdelay $0x1  }
0x3a: {  	v12 =	vmul.f32 $1.442695020e+00, v12;
	_ =	sdelay $0x1  }
0x3b: {  	(erf) = vpow2.f32 v12;
	_ =	sdelay $0x8  }
0x3c: {  	v12 =	vpop (erf)  }
0x3d: {  	v11 =	vadd.f32 $-1.000000000e+00, v11;
	v10 =	vmul.f32 v12, v10  }
0x3e: {  	v7 =	vadd.f32 $-1.000000000e+00, v7;
	v6 =	vmul.f32 v8, v6  }
0x3f: {  	v8 =	vadd.f32 v10, v11  }
0x40: {  	v6 =	vadd.f32 v6, v7;
	v7 =	vmax.f32 v9, $0.0e+00  }
0x41: {  	v5 =	vmax.f32 v5, $0.0e+00;
	v7 =	vadd.f32 v8, v7  }
0x42: {  	v5 =	vadd.f32 v6, v5  }
0x43: {  	v6 =	vnsel vm0, $0x0, v7  }
0x44: {  	v6 =	vadd.f32 v6, v5;
	_ =	sdelay $0x1  }
0x45: {  	[tilespmem:$0x0] =	vst v6  }
0x46: {  	v8 =	vld.idx.msk [tilespmem:v1+s2+$0x0], $0xffff;
	_ =	sdelay $0x4  }
0x47: {  	v6 =	vadd.f32 v6, v8;
	_ =	sdelay $0x1  }
0x48: {  	[tilespmem:$0x0] =	vst v6  }
0x49: {  	v8 =	vld.idx.msk [tilespmem:v2+s2+$0x0], $0xffff;
	_ =	sdelay $0x4  }
0x4a: {  	v6 =	vadd.f32 v6, v8;
	_ =	sdelay $0x1  }
0x4b: {  	[tilespmem:$0x0] =	vst v6  }
0x4c: {  	v8 =	vld.idx.msk [tilespmem:v3+s2+$0x0], $0xffff;
	_ =	sdelay $0x4  }
0x4d: {  	v6 =	vadd.f32 v6, v8;
	_ =	sdelay $0x1  }
0x4e: {  	[tilespmem:$0x0] =	vst v6  }
0x4f: {  	v8 =	vld.idx.msk [tilespmem:v4+s2+$0x0], $0xffff;
	_ =	sdelay $0x4  }
0x50: {  	v6 =	vadd.f32 v6, v8;
	_ =	sdelay $0x1  }
0x51: {  	(erf) = vrcp.f32 v6;
	_ =	sdelay $0x8  }
0x52: {  	v6 =	vpop (erf)  }
0x53: {  	v6 =	vmul.f32 $2.600000000e+01, v6;
	_ =	sdelay $0x1  }
0x54: {  	v5 =	vmul.f32 v6, v5  }
0x55: {  	v6 =	vmul.f32 v6, v7  }
0x56: {  	[tilespmem:$0x0] =	vst v5  }
0x57: {  	[tilespmem:$0x10] =	vst v6  }
0x58: {  	_ =	swait.ge [sflag:s11], $0x200  }
0x59: {  	[sflag:s11] =	ssyncset.done $0x0  }
0x5a: {  	[sflag:s11] =	ssyncadd.s32 $0xFFFFFE00  }
0x5b: {  	_ =	swait.ge [sflag:s12], $0x200  }
0x5c: {  	[sflag:s12] =	ssyncset.done $0x0  }
0x5d: {  	s15 =	simm.s32 $0x60;
	[sflag:s12] =	ssyncadd.s32 $0xFFFFFE00  }
0x5e: {  	v5 =	vld [tilespmem:s15+$0x30]  }
0x5f: {  	v6 =	vld [tilespmem:s15+$0xFFFFFFD0]  }
0x60: {  	v7 =	vld [tilespmem:s15+$0xFFFFFFE0]  }
0x61: {  	v8 =	vld [tilespmem:s15+$0xFFFFFFF0]  }
0x62: {  	v10 =	vld [tilespmem:s15+$0x0]  }
0x63: {  	v11 =	vld [tilespmem:s15+$0x10]  }
0x64: {  	v12 =	vld [tilespmem:s15+$0x20]  }
0x65: {  	v13 =	vld [tilespmem:s15+$0xFFFFFFC0];
	s15 =	simm.s32 $0x260  }
0x66: {  	v16 =	vld [tilespmem:s15+$0x30]  }
0x67: {  	v19 =	vld [tilespmem:s15+$0xFFFFFFD0]  }
0x68: {  	v14 =	vld [tilespmem:s15+$0xFFFFFFE0]  }
0x69: {  	v15 =	vld.idx.msk [tilespmem:v5+s2+$0x0], $0xffff  }
0x6a: {  	v17 =	vld.idx.msk [tilespmem:v6+s2+$0x0], $0xffff  }
0x6b: {  	v9 =	vld.idx.msk [tilespmem:v7+s2+$0x0], $0xffff  }
0x6c: {  	v8 =	vld.idx.msk [tilespmem:v8+s2+$0x0], $0xffff  }
0x6d: {  	v18 =	vld.idx.msk [tilespmem:v13+s2+$0x0], $0xffff  }
0x6e: {  	v6 =	vld.idx.msk [tilespmem:v12+s2+$0x0], $0xffff  }
0x6f: {  	v12 =	vld [tilespmem:s15+$0xFFFFFFC0]  }
0x70: {  	v7 =	vld.idx.msk [tilespmem:v10+s2+$0x0], $0xffff  }
0x71: {  	v5 =	vld.idx.msk [tilespmem:v11+s2+$0x0], $0xffff  }
0x72: {  	v13 =	vld [tilespmem:s15+$0xFFFFFFF0]  }
0x73: {  	v11 =	vld [tilespmem:s15+$0x0];
	v15 =	vmul.f32 v16, v15  }
0x74: {  	v10 =	vld [tilespmem:s15+$0x10];
	v16 =	vmul.f32 v12, v18  }
0x75: {  	s16 =	simm.s32 $0x0;
	s17 =	simm.s32 $0xE0;
	v12 =	vld [tilespmem:s15+$0x20];
	[tilespmem:s15+$0x30] =	vst v15;
	v15 =	vmul.f32 v19, v17  }
.LBB2_2:
0x76: {  	v17 =	vld [tilespmem:s17+$0x30];
	s16 =	sadd.s32 $0x80, s16;
	[tilespmem:s15+$0xFFFFFFC0] =	vst v16;
	v9 =	vmul.f32 v14, v9  }
0x77: {  	v14 =	vld [tilespmem:s17+$0xFFFFFFD0];
	p0 =	slt.u32 s16, $0x180;
	[tilespmem:s15+$0xFFFFFFD0] =	vst v15;
	v8 =	vmul.f32 v13, v8  }
0x78: {  	v13 =	vld [tilespmem:s17+$0xFFFFFFE0];
	[tilespmem:s15+$0xFFFFFFE0] =	vst v9;
	v7 =	vmul.f32 v11, v7  }
0x79: {  	v11 =	vld [tilespmem:s17+$0xFFFFFFF0];
	[tilespmem:s15+$0xFFFFFFF0] =	vst v8;
	v5 =	vmul.f32 v10, v5  }
0x7a: {  	v10 =	vld [tilespmem:s17+$0x0];
	[tilespmem:s15+$0x0] =	vst v7;
	v6 =	vmul.f32 v12, v6  }
0x7b: {  	v12 =	vld [tilespmem:s17+$0x10];
	[tilespmem:s15+$0x10] =	vst v5  }
0x7c: {  	v15 =	vld [tilespmem:s17+$0x20];
	[tilespmem:s15+$0x20] =	vst v6  }
0x7d: {  	v6 =	vld [tilespmem:s17+$0xFFFFFFC0]  }
0x7e: {  	s15 =	sadd.s32 $0x80, s15;
	v16 =	vld.idx.msk [tilespmem:v17+s2+$0x0], $0xffff  }
0x7f: {  	v17 =	vld [tilespmem:s15+$0x30]  }
0x80: {  	v18 =	vld.idx.msk [tilespmem:v14+s2+$0x0], $0xffff  }
0x81: {  	v9 =	vld.idx.msk [tilespmem:v13+s2+$0x0], $0xffff  }
0x82: {  	v8 =	vld.idx.msk [tilespmem:v11+s2+$0x0], $0xffff  }
0x83: {  	v7 =	vld.idx.msk [tilespmem:v10+s2+$0x0], $0xffff  }
0x84: {  	v5 =	vld.idx.msk [tilespmem:v12+s2+$0x0], $0xffff;
	v10 =	vmul.f32 v17, v16  }
0x85: {  	v12 =	vld.idx.msk [tilespmem:v6+s2+$0x0], $0xffff  }
0x86: {  	v6 =	vld.idx.msk [tilespmem:v15+s2+$0x0], $0xffff;
	[tilespmem:s15+$0x30] =	vst v10  }
0x87: {  	v10 =	vld [tilespmem:s15+$0xFFFFFFC0]  }
0x88: {  	v15 =	vld [tilespmem:s15+$0xFFFFFFD0]  }
.Ltmp0:
0x89: {  	v14 =	vld [tilespmem:s15+$0xFFFFFFE0];
	(pc) =	sbr.rel @p0 .LBB2_2-.Ltmp0, $4  }
0x8a: {  	v13 =	vld [tilespmem:s15+$0xFFFFFFF0]  }
0x8b: {  	v11 =	vld [tilespmem:s15+$0x0]  }
0x8c: {  	v16 =	vmul.f32 v10, v12;
	v10 =	vld [tilespmem:s15+$0x10]  }
0x8d: {  	s17 =	sadd.s32 $0x80, s17;
	v15 =	vmul.f32 v15, v18;
	v12 =	vld [tilespmem:s15+$0x20]  }
0x8e: {  	[tilespmem:s15+$0xFFFFFFC0] =	vst v16;
	v9 =	vmul.f32 v14, v9  }
0x8f: {  	[tilespmem:s15+$0xFFFFFFD0] =	vst v15;
	v8 =	vmul.f32 v13, v8  }
0x90: {  	[tilespmem:s15+$0xFFFFFFE0] =	vst v9;
	v7 =	vmul.f32 v11, v7  }
0x91: {  	[tilespmem:s15+$0xFFFFFFF0] =	vst v8;
	v5 =	vmul.f32 v10, v5  }
0x92: {  	s14 =	sadd.s32 $0x1, s14;
	[tilespmem:s15+$0x0] =	vst v7;
	v6 =	vmul.f32 v12, v6  }
0x93: {  	p0 =	sne.s32 s14, s7;
	[tilespmem:s15+$0x10] =	vst v5  }
.Ltmp1:
0x94: {  	[tilespmem:s15+$0x20] =	vst v6;
	(pc) =	sbr.rel @p0 .LBB2_1-.Ltmp1, $4  }
0x95: {  	[hbm4b:s6+s2] =	stream.linear.scatter [tilespmem:s9], [sflag:$0x4], $0x200, $0x38;
	[tilespmem:$0x420] =	vst v63  }
0x96: {  	_ =	swait.ge [sflag:s13], $0x200  }
0x97: {  	[sflag:s13] =	ssyncset.done $0x0  }
0x98: {  	[sflag:s13] =	ssyncadd.s32 $0xFFFFFE00  }
0x99: {  	_ =	sfence.sel $0x180000  }
0x9a: {  	[bflag:$0x0] =	sbarrier.arrive $0xFFFF  }
0x9b: {  	p0 =	sne.s32 s3, $0x0;
	_ =	strace $0x90000047  }
0x9c: {  	s0 =	sadd.s32 @!p0 $0x100000, s1;
	[bflag:$0x2] =	sbarrier.arrive $0xFFFF  }
0x9d: {  	[sflag:s0] =	ssyncadd.tile.s32 @!p0 $0x1;
	_ =	shalt  }
.Lfunc_end2:
_tile_overlayer_lowered:
.L_overlay_start_2:
0x9e: {  	(tag) =	ssettag $0x2  }
0x9f: {  	s0 =	rddreg [dreg:$0x0];
	s2 =	stileid.u32  }
0xa0: {  	s1 =	rddreg [dreg:$0x1];
	p0 =	sne.s32 s2, $0x0  }
0xa1: {  	s3 =	rddreg [dreg:$0x2];
	[bflag:$0x3] =	sbarrier.arrive $0xFFFF;
	s2 =	simm.s32 @!p0 $0x1C04  }
0xa2: {  	[timem:s3], [sflag:s2] =	dma.local @!p0 [hbm:s0], s1  }
0xa3: {  	s0 =	simm.s32 @!p0 $0x4  }
0xa4: {  	_ =	swait.ge @!p0 [sflag:s0], s1  }
0xa5: {  	s1 =	ssub.s32 @!p0 $0x0, s1;
	[sflag:s0] =	ssyncset.done @!p0 $0x0  }
0xa6: {  	[sflag:s0] =	ssyncadd.s32 @!p0 s1  }
0xa7: {  	[bflag:$0x3] =	sbarrier.arrive $0xFFFF  }
0xa8: {  	_ =	shalt  }

</sc_bundles>
